<compile_context>
chip_gen: v7x
topology: tpu7x:2x2x1
jax: 0.10.2.dev20260603
libtpu: 0.0.44.dev20260713+nightly
codegen_flags: <defaults>
</compile_context>

<pallas_src>
import functools

import jax
import jax.numpy as jnp
from jax import lax
from jax.experimental import pallas as pl
from jax.experimental.pallas import tpu as pltpu
from jax.experimental.pallas import tpu_sc as plsc

TOP_K_FRAC = 0.75
RB = 32
NBUF = 4



def _sc_gather(table, ridx, lidx):
    b = ridx.shape[0]
    info = plsc.get_sparse_core_info()
    nc, ns = info.num_cores, info.num_subcores
    nw = nc * ns
    bw = b // nw
    mesh = plsc.VectorSubcoreMesh(core_axis_name="c", subcore_axis_name="s")

    @functools.partial(
        pl.kernel, mesh=mesh,
        out_type=jax.ShapeDtypeStruct((b,), jnp.float32),
        compiler_params=pltpu.CompilerParams(needs_layout_passes=False),
        scratch_types=[
            pltpu.VMEM((bw,), jnp.int32),
            pltpu.VMEM((bw,), jnp.int32),
            pltpu.VMEM((bw, 128), jnp.float32),
            pltpu.VMEM((bw,), jnp.float32),
            pltpu.SemaphoreType.DMA,
        ],
    )
    def k(table_hbm, ridx_hbm, lidx_hbm, out_hbm, ridx_v, lidx_v,
          rows_v, out_v, sem):
        wid = lax.axis_index("s") * nc + lax.axis_index("c")
        base = wid * bw
        pltpu.sync_copy(ridx_hbm.at[pl.ds(base, bw)], ridx_v)
        pltpu.sync_copy(lidx_hbm.at[pl.ds(base, bw)], lidx_v)
        pltpu.async_copy(table_hbm.at[ridx_v], rows_v, sem).wait()
        for c in range(bw // 16):
            rr = lax.iota(jnp.int32, 16) + c * 16
            ll = lidx_v[pl.ds(c * 16, 16)]
            out_v[pl.ds(c * 16, 16)] = plsc.load_gather(rows_v, [rr, ll])
        pltpu.sync_copy(out_v, out_hbm.at[pl.ds(base, bw)])

    return k(table, ridx, lidx)



def _lse_kernel(v, nblk, rb, x_hbm, s_ref, bufs, sems):
    def copy(i, slot):
        return pltpu.make_async_copy(
            x_hbm.at[pl.ds(i * rb, rb), :], bufs.at[slot], sems.at[slot])

    for b in range(min(NBUF, nblk)):
        copy(b, b).start()

    def body(i, carry):
        slot = jax.lax.rem(i, NBUF)
        copy(i, slot).wait()
        x = bufs[slot]
        s_ref[pl.ds(i * rb, rb), :] = jnp.sum(
            jnp.exp(x), axis=1, keepdims=True)

        @pl.when(i + NBUF < nblk)
        def _():
            copy(i + NBUF, slot).start()

        return carry

    jax.lax.fori_loop(0, nblk, body, 0)



def _topk_mean_kernel(k, s_ref, p_ref, o_ref):
    loss = jnp.log(s_ref[...]) - p_ref[...]
    bits = jax.lax.bitcast_convert_type(loss, jnp.uint32)
    keys = jnp.where(bits >= jnp.uint32(0x80000000), ~bits,
                     bits | jnp.uint32(0x80000000))

    def body(i, prefix):
        bit = jnp.uint32(31) - jnp.uint32(i)
        cand = prefix | (jnp.uint32(1) << bit)
        cnt = jnp.sum(jnp.where(keys >= cand, 1, 0))
        return jnp.where(cnt >= k, cand, prefix)

    thr = jax.lax.fori_loop(0, 32, body, jnp.uint32(0))
    cnt_gt = jnp.sum(jnp.where(keys > thr, 1, 0))
    sum_gt = jnp.sum(jnp.where(keys > thr, loss, 0.0))
    thr_val = jnp.max(jnp.where(keys == thr, loss, -jnp.inf))
    total = sum_gt + (k - cnt_gt).astype(jnp.float32) * thr_val
    o_ref[...] = jnp.full((1, 1), total / jnp.float32(k), dtype=jnp.float32)


def kernel(input, target):
    b, v = input.shape
    k = int(round(TOP_K_FRAC * b))
    rb = min(RB, b)
    nblk = b // rb

    tgt = target.astype(jnp.int32)
    flat = jnp.arange(b, dtype=jnp.int32) * v + tgt
    picked = _sc_gather(input.reshape(b * v // 128, 128),
                        flat // 128, flat % 128)

    s, = pl.pallas_call(
        functools.partial(_lse_kernel, v, nblk, rb),
        in_specs=[pl.BlockSpec(memory_space=pltpu.HBM)],
        out_specs=[pl.BlockSpec(memory_space=pltpu.VMEM)],
        out_shape=[jax.ShapeDtypeStruct((b, 1), jnp.float32)],
        scratch_shapes=[
            pltpu.VMEM((NBUF, rb, v), jnp.float32),
            pltpu.SemaphoreType.DMA((NBUF,)),
        ],
        compiler_params=pltpu.CompilerParams(
            vmem_limit_bytes=63 * 1024 * 1024,
        ),
    )(input)

    out = pl.pallas_call(
        functools.partial(_topk_mean_kernel, k),
        out_shape=jax.ShapeDtypeStruct((1, 1), jnp.float32),
    )(s.reshape(b // 128, 128), picked.reshape(b // 128, 128))
    return out.reshape(())

# --- scband reference (transcript-rebuilt; emitter-appended) ---
"""Pipeline reference for scband-topk-loss-85160611545552 (READ-ONLY COPY).

The authoritative reference and input builder live on the scoring server;
editing this copy changes nothing except your own understanding.
"""

import jax, jax.numpy as jnp
import numpy as np

TOP_K_FRAC = 0.75

def setup_inputs(seed: int = 0) -> dict:
    key = jax.random.key(seed)
    k1, k2 = jax.random.split(key)
    input = jax.random.normal(k1, (4096, 100000), dtype=jnp.float32)
    target = jax.random.randint(k2, (4096,), 0, 100000, dtype=jnp.int64 if jax.config.jax_enable_x64 else jnp.int32)
    return {"input": input, "target": target}

def reference(input, target):
    # per-sample cross entropy, reduction='none'
    lse = jax.nn.logsumexp(input, axis=1)
    picked = jnp.take_along_axis(input, target[:, None].astype(jnp.int32), axis=1)[:, 0]
    loss = lse - picked  # [B]
    B = loss.shape[0]
    k = int(round(TOP_K_FRAC * B))  # 3072
    valid_loss, idxs = jax.lax.top_k(loss, k)
    return jnp.mean(valid_loss)

if __name__ == "__main__":
    import jax
    _d = setup_inputs()
    print(jax.jit(kernel)(*tuple(_d.values())))

</pallas_src>

<mosaic_0001>
#map = affine_map<(d0, d1) -> (0, 0)>
#map1 = affine_map<(d0, d1) -> (0)>
module attributes {stable_mosaic.version = 14 : i64} {
  func.func @k(%arg0: i32, %arg1: i32, %arg2: memref<3200000x128xf32, #tpu.memory_space<hbm>>, %arg3: memref<4096xi32, #tpu.memory_space<hbm>>, %arg4: memref<4096xi32, #tpu.memory_space<hbm>>, %arg5: memref<4096xf32, #tpu.memory_space<hbm>>, %arg6: memref<128xi32, #tpu.memory_space<vmem>>, %arg7: memref<128xi32, #tpu.memory_space<vmem>>, %arg8: memref<128x128xf32, #tpu.memory_space<vmem>>, %arg9: memref<128xf32, #tpu.memory_space<vmem>>, %arg10: memref<!tpu.dma_semaphore, #tpu.memory_space<semaphore_mem>>) attributes {dimension_semantics = [#tpu.dimension_semantics<core_parallel>, #tpu.dimension_semantics<subcore_parallel>], iteration_bounds = array<i64: 2, 16>, scalar_prefetch = 0 : i64, scratch_operands = 5 : i64, tpu.core_type = #tpu.core_type<sc_vector_subcore>, window_params = [{transform_indices = #map}, {transform_indices = #map1}, {transform_indices = #map1}, {transform_indices = #map1}]} {
    %mul3A = arith.constant 2 : i32
    %mul3A_0 = arith.muli %arg1, %mul3A : i32
    %add3A = arith.addi %mul3A_0, %arg0 : i32
    %mul3A_1 = arith.constant 128 : i32
    %mul3A_2 = arith.muli %add3A, %mul3A_1 : i32
    "tpu.region"() ({
      %run_scoped3A = tpu.sem_alloc : memref<!tpu.dma_semaphore, #tpu.memory_space<semaphore_mem>>
      %dma_start3A_75 = tpu.memref_slice %arg3[%mul3A_2] : memref<4096xi32, #tpu.memory_space<hbm>> -> memref<128xi32, #tpu.memory_space<hbm>>
      %dma_start3A_76 = tpu.memref_slice %arg3[%mul3A_2] : memref<4096xi32, #tpu.memory_space<hbm>> -> memref<128xi32, #tpu.memory_space<hbm>>
      tpu.enqueue_dma source(%dma_start3A_76 : memref<128xi32, #tpu.memory_space<hbm>>) target(%arg6 : memref<128xi32, #tpu.memory_space<vmem>>) target_semaphore(%run_scoped3A : memref<!tpu.dma_semaphore, #tpu.memory_space<semaphore_mem>>)
      %dma_wait3A_77 = tpu.memref_slice %arg3[%mul3A_2] : memref<4096xi32, #tpu.memory_space<hbm>> -> memref<128xi32, #tpu.memory_space<hbm>>
      %dma_wait3A_78 = tpu.memref_slice %arg3[%mul3A_2] : memref<4096xi32, #tpu.memory_space<hbm>> -> memref<128xi32, #tpu.memory_space<hbm>>
      tpu.wait_dma2 semaphore(%run_scoped3A : memref<!tpu.dma_semaphore, #tpu.memory_space<semaphore_mem>>) src(%dma_wait3A_78 : memref<128xi32, #tpu.memory_space<hbm>>) dst(%arg6 : memref<128xi32, #tpu.memory_space<vmem>>)
      tpu.yield
    }) : () -> ()
    "tpu.region"() ({
      %run_scoped3A = tpu.sem_alloc : memref<!tpu.dma_semaphore, #tpu.memory_space<semaphore_mem>>
      %dma_start3A_75 = tpu.memref_slice %arg4[%mul3A_2] : memref<4096xi32, #tpu.memory_space<hbm>> -> memref<128xi32, #tpu.memory_space<hbm>>
      %dma_start3A_76 = tpu.memref_slice %arg4[%mul3A_2] : memref<4096xi32, #tpu.memory_space<hbm>> -> memref<128xi32, #tpu.memory_space<hbm>>
      tpu.enqueue_dma source(%dma_start3A_76 : memref<128xi32, #tpu.memory_space<hbm>>) target(%arg7 : memref<128xi32, #tpu.memory_space<vmem>>) target_semaphore(%run_scoped3A : memref<!tpu.dma_semaphore, #tpu.memory_space<semaphore_mem>>)
      %dma_wait3A_77 = tpu.memref_slice %arg4[%mul3A_2] : memref<4096xi32, #tpu.memory_space<hbm>> -> memref<128xi32, #tpu.memory_space<hbm>>
      %dma_wait3A_78 = tpu.memref_slice %arg4[%mul3A_2] : memref<4096xi32, #tpu.memory_space<hbm>> -> memref<128xi32, #tpu.memory_space<hbm>>
      tpu.wait_dma2 semaphore(%run_scoped3A : memref<!tpu.dma_semaphore, #tpu.memory_space<semaphore_mem>>) src(%dma_wait3A_78 : memref<128xi32, #tpu.memory_space<hbm>>) dst(%arg7 : memref<128xi32, #tpu.memory_space<vmem>>)
      tpu.yield
    }) : () -> ()
    %dma_start3A = arith.constant 0 : i32
    %dma_start3A_3 = arith.constant 0 : i32
    %dma_start3A_4 = tpu.memref_slice %arg2[%dma_start3A, %dma_start3A_3] : memref<3200000x128xf32, #tpu.memory_space<hbm>> -> memref<3200000x128xf32, #tpu.memory_space<hbm>>
    tpu.enqueue_indirect_dma source(%dma_start3A_4 : memref<3200000x128xf32, #tpu.memory_space<hbm>>) target(%arg8 : memref<128x128xf32, #tpu.memory_space<vmem>>) offsets(%arg6 : memref<128xi32, #tpu.memory_space<vmem>>) semaphore(%arg10 : memref<!tpu.dma_semaphore, #tpu.memory_space<semaphore_mem>>)
    %dma_wait3A = arith.constant 0 : i32
    %dma_wait3A_5 = arith.constant 0 : i32
    %dma_wait3A_6 = tpu.memref_slice %arg2[%dma_wait3A, %dma_wait3A_5] : memref<3200000x128xf32, #tpu.memory_space<hbm>> -> memref<3200000x128xf32, #tpu.memory_space<hbm>>
    tpu.wait_indirect_dma semaphore(%arg10 : memref<!tpu.dma_semaphore, #tpu.memory_space<semaphore_mem>>) src(%dma_wait3A_6 : memref<3200000x128xf32, #tpu.memory_space<hbm>>) dst(%arg8 : memref<128x128xf32, #tpu.memory_space<vmem>>)
    %iota3A = tpu.iota {dimensions = array<i32: 0>} : vector<16xi32>
    %add3A_7 = arith.constant 0 : i32
    %add3A_8 = vector.broadcast %add3A_7 : i32 to vector<16xi32>
    %add3A_9 = arith.addi %iota3A, %add3A_8 : vector<16xi32>
    %get3A = arith.constant 0 : index
    %get3A_10 = tpu.vector_load %arg7[%get3A] {strides = array<i32>} : memref<128xi32, #tpu.memory_space<vmem>>, vector<16xi32>,
    %gather3A = tpu.vector_load_idx %arg8[%add3A_9, %get3A_10] : memref<128x128xf32, #tpu.memory_space<vmem>>[vector<16xi32>, vector<16xi32>], vector<16xf32>,
    %swap3A = arith.constant 0 : index
    %swap3A_11 = tpu.vector_load %arg9[%swap3A] {strides = array<i32>} : memref<128xf32, #tpu.memory_space<vmem>>, vector<16xf32>,
    tpu.vector_store %arg9[%swap3A], %gather3A {strides = array<i32>} : memref<128xf32, #tpu.memory_space<vmem>>, vector<16xf32>,
    %iota3A_12 = tpu.iota {dimensions = array<i32: 0>} : vector<16xi32>
    %add3A_13 = arith.constant 16 : i32
    %add3A_14 = vector.broadcast %add3A_13 : i32 to vector<16xi32>
    %add3A_15 = arith.addi %iota3A_12, %add3A_14 : vector<16xi32>
    %get3A_16 = arith.constant 16 : index
    %get3A_17 = tpu.vector_load %arg7[%get3A_16] {strides = array<i32>} : memref<128xi32, #tpu.memory_space<vmem>>, vector<16xi32>,
    %gather3A_18 = tpu.vector_load_idx %arg8[%add3A_15, %get3A_17] : memref<128x128xf32, #tpu.memory_space<vmem>>[vector<16xi32>, vector<16xi32>], vector<16xf32>,
    %swap3A_19 = arith.constant 16 : index
    %swap3A_20 = tpu.vector_load %arg9[%swap3A_19] {strides = array<i32>} : memref<128xf32, #tpu.memory_space<vmem>>, vector<16xf32>,
    tpu.vector_store %arg9[%swap3A_19], %gather3A_18 {strides = array<i32>} : memref<128xf32, #tpu.memory_space<vmem>>, vector<16xf32>,
    %iota3A_21 = tpu.iota {dimensions = array<i32: 0>} : vector<16xi32>
    %add3A_22 = arith.constant 32 : i32
    %add3A_23 = vector.broadcast %add3A_22 : i32 to vector<16xi32>
    %add3A_24 = arith.addi %iota3A_21, %add3A_23 : vector<16xi32>
    %get3A_25 = arith.constant 32 : index
    %get3A_26 = tpu.vector_load %arg7[%get3A_25] {strides = array<i32>} : memref<128xi32, #tpu.memory_space<vmem>>, vector<16xi32>,
    %gather3A_27 = tpu.vector_load_idx %arg8[%add3A_24, %get3A_26] : memref<128x128xf32, #tpu.memory_space<vmem>>[vector<16xi32>, vector<16xi32>], vector<16xf32>,
    %swap3A_28 = arith.constant 32 : index
    %swap3A_29 = tpu.vector_load %arg9[%swap3A_28] {strides = array<i32>} : memref<128xf32, #tpu.memory_space<vmem>>, vector<16xf32>,
    tpu.vector_store %arg9[%swap3A_28], %gather3A_27 {strides = array<i32>} : memref<128xf32, #tpu.memory_space<vmem>>, vector<16xf32>,
    %iota3A_30 = tpu.iota {dimensions = array<i32: 0>} : vector<16xi32>
    %add3A_31 = arith.constant 48 : i32
    %add3A_32 = vector.broadcast %add3A_31 : i32 to vector<16xi32>
    %add3A_33 = arith.addi %iota3A_30, %add3A_32 : vector<16xi32>
    %get3A_34 = arith.constant 48 : index
    %get3A_35 = tpu.vector_load %arg7[%get3A_34] {strides = array<i32>} : memref<128xi32, #tpu.memory_space<vmem>>, vector<16xi32>,
    %gather3A_36 = tpu.vector_load_idx %arg8[%add3A_33, %get3A_35] : memref<128x128xf32, #tpu.memory_space<vmem>>[vector<16xi32>, vector<16xi32>], vector<16xf32>,
    %swap3A_37 = arith.constant 48 : index
    %swap3A_38 = tpu.vector_load %arg9[%swap3A_37] {strides = array<i32>} : memref<128xf32, #tpu.memory_space<vmem>>, vector<16xf32>,
    tpu.vector_store %arg9[%swap3A_37], %gather3A_36 {strides = array<i32>} : memref<128xf32, #tpu.memory_space<vmem>>, vector<16xf32>,
    %iota3A_39 = tpu.iota {dimensions = array<i32: 0>} : vector<16xi32>
    %add3A_40 = arith.constant 64 : i32
    %add3A_41 = vector.broadcast %add3A_40 : i32 to vector<16xi32>
    %add3A_42 = arith.addi %iota3A_39, %add3A_41 : vector<16xi32>
    %get3A_43 = arith.constant 64 : index
    %get3A_44 = tpu.vector_load %arg7[%get3A_43] {strides = array<i32>} : memref<128xi32, #tpu.memory_space<vmem>>, vector<16xi32>,
    %gather3A_45 = tpu.vector_load_idx %arg8[%add3A_42, %get3A_44] : memref<128x128xf32, #tpu.memory_space<vmem>>[vector<16xi32>, vector<16xi32>], vector<16xf32>,
    %swap3A_46 = arith.constant 64 : index
    %swap3A_47 = tpu.vector_load %arg9[%swap3A_46] {strides = array<i32>} : memref<128xf32, #tpu.memory_space<vmem>>, vector<16xf32>,
    tpu.vector_store %arg9[%swap3A_46], %gather3A_45 {strides = array<i32>} : memref<128xf32, #tpu.memory_space<vmem>>, vector<16xf32>,
    %iota3A_48 = tpu.iota {dimensions = array<i32: 0>} : vector<16xi32>
    %add3A_49 = arith.constant 80 : i32
    %add3A_50 = vector.broadcast %add3A_49 : i32 to vector<16xi32>
    %add3A_51 = arith.addi %iota3A_48, %add3A_50 : vector<16xi32>
    %get3A_52 = arith.constant 80 : index
    %get3A_53 = tpu.vector_load %arg7[%get3A_52] {strides = array<i32>} : memref<128xi32, #tpu.memory_space<vmem>>, vector<16xi32>,
    %gather3A_54 = tpu.vector_load_idx %arg8[%add3A_51, %get3A_53] : memref<128x128xf32, #tpu.memory_space<vmem>>[vector<16xi32>, vector<16xi32>], vector<16xf32>,
    %swap3A_55 = arith.constant 80 : index
    %swap3A_56 = tpu.vector_load %arg9[%swap3A_55] {strides = array<i32>} : memref<128xf32, #tpu.memory_space<vmem>>, vector<16xf32>,
    tpu.vector_store %arg9[%swap3A_55], %gather3A_54 {strides = array<i32>} : memref<128xf32, #tpu.memory_space<vmem>>, vector<16xf32>,
    %iota3A_57 = tpu.iota {dimensions = array<i32: 0>} : vector<16xi32>
    %add3A_58 = arith.constant 96 : i32
    %add3A_59 = vector.broadcast %add3A_58 : i32 to vector<16xi32>
    %add3A_60 = arith.addi %iota3A_57, %add3A_59 : vector<16xi32>
    %get3A_61 = arith.constant 96 : index
    %get3A_62 = tpu.vector_load %arg7[%get3A_61] {strides = array<i32>} : memref<128xi32, #tpu.memory_space<vmem>>, vector<16xi32>,
    %gather3A_63 = tpu.vector_load_idx %arg8[%add3A_60, %get3A_62] : memref<128x128xf32, #tpu.memory_space<vmem>>[vector<16xi32>, vector<16xi32>], vector<16xf32>,
    %swap3A_64 = arith.constant 96 : index
    %swap3A_65 = tpu.vector_load %arg9[%swap3A_64] {strides = array<i32>} : memref<128xf32, #tpu.memory_space<vmem>>, vector<16xf32>,
    tpu.vector_store %arg9[%swap3A_64], %gather3A_63 {strides = array<i32>} : memref<128xf32, #tpu.memory_space<vmem>>, vector<16xf32>,
    %iota3A_66 = tpu.iota {dimensions = array<i32: 0>} : vector<16xi32>
    %add3A_67 = arith.constant 112 : i32
    %add3A_68 = vector.broadcast %add3A_67 : i32 to vector<16xi32>
    %add3A_69 = arith.addi %iota3A_66, %add3A_68 : vector<16xi32>
    %get3A_70 = arith.constant 112 : index
    %get3A_71 = tpu.vector_load %arg7[%get3A_70] {strides = array<i32>} : memref<128xi32, #tpu.memory_space<vmem>>, vector<16xi32>,
    %gather3A_72 = tpu.vector_load_idx %arg8[%add3A_69, %get3A_71] : memref<128x128xf32, #tpu.memory_space<vmem>>[vector<16xi32>, vector<16xi32>], vector<16xf32>,
    %swap3A_73 = arith.constant 112 : index
    %swap3A_74 = tpu.vector_load %arg9[%swap3A_73] {strides = array<i32>} : memref<128xf32, #tpu.memory_space<vmem>>, vector<16xf32>,
    tpu.vector_store %arg9[%swap3A_73], %gather3A_72 {strides = array<i32>} : memref<128xf32, #tpu.memory_space<vmem>>, vector<16xf32>,
    "tpu.region"() ({
      %run_scoped3A = tpu.sem_alloc : memref<!tpu.dma_semaphore, #tpu.memory_space<semaphore_mem>>
      %dma_start3A_75 = tpu.memref_slice %arg5[%mul3A_2] : memref<4096xf32, #tpu.memory_space<hbm>> -> memref<128xf32, #tpu.memory_space<hbm>>
      %dma_start3A_76 = tpu.memref_slice %arg5[%mul3A_2] : memref<4096xf32, #tpu.memory_space<hbm>> -> memref<128xf32, #tpu.memory_space<hbm>>
      tpu.enqueue_dma source(%arg9 : memref<128xf32, #tpu.memory_space<vmem>>) target(%dma_start3A_76 : memref<128xf32, #tpu.memory_space<hbm>>) target_semaphore(%run_scoped3A : memref<!tpu.dma_semaphore, #tpu.memory_space<semaphore_mem>>)
      %dma_wait3A_77 = tpu.memref_slice %arg5[%mul3A_2] : memref<4096xf32, #tpu.memory_space<hbm>> -> memref<128xf32, #tpu.memory_space<hbm>>
      %dma_wait3A_78 = tpu.memref_slice %arg5[%mul3A_2] : memref<4096xf32, #tpu.memory_space<hbm>> -> memref<128xf32, #tpu.memory_space<hbm>>
      tpu.wait_dma2 semaphore(%run_scoped3A : memref<!tpu.dma_semaphore, #tpu.memory_space<semaphore_mem>>) src(%arg9 : memref<128xf32, #tpu.memory_space<vmem>>) dst(%dma_wait3A_78 : memref<128xf32, #tpu.memory_space<hbm>>)
      tpu.yield
    }) : () -> ()
    return
  }
}

module attributes {stable_mosaic.version = 14 : i64} {
  func.func @_lse_kernel(%arg0: memref<4096x100000xf32, #tpu.memory_space<hbm>>, %arg1: memref<4096x1xf32, #tpu.memory_space<vmem>>, %arg2: memref<4x32x100000xf32, #tpu.memory_space<vmem>>, %arg3: memref<4x!tpu.dma_semaphore, #tpu.memory_space<semaphore_mem>>) attributes {dimension_semantics = [], scalar_prefetch = 0 : i64, scratch_operands = 2 : i64, tpu.core_type = #tpu.core_type<tc>} {
    %dma_start3A = arith.constant 0 : i32
    %dma_start3A_0 = arith.constant 0 : i32
    %dma_start3A_1 = tpu.memref_slice %arg3[%dma_start3A_0] : memref<4x!tpu.dma_semaphore, #tpu.memory_space<semaphore_mem>> -> memref<1x!tpu.dma_semaphore, #tpu.memory_space<semaphore_mem>>
    %dma_start3A_2 = tpu.memref_squeeze %dma_start3A_1 : memref<1x!tpu.dma_semaphore, #tpu.memory_space<semaphore_mem>> -> memref<!tpu.dma_semaphore, #tpu.memory_space<semaphore_mem>>
    %dma_start3A_3 = arith.constant 0 : i32
    %dma_start3A_4 = arith.constant 0 : i32
    %dma_start3A_5 = tpu.memref_slice %arg2[%dma_start3A, %dma_start3A_3, %dma_start3A_4] : memref<4x32x100000xf32, #tpu.memory_space<vmem>> -> memref<1x32x100000xf32, #tpu.memory_space<vmem>>
    %dma_start3A_6 = tpu.memref_squeeze %dma_start3A_5 : memref<1x32x100000xf32, #tpu.memory_space<vmem>> -> memref<32x100000xf32, #tpu.memory_space<vmem>>
    %dma_start3A_7 = arith.constant 0 : i32
    %dma_start3A_8 = arith.constant 0 : i32
    %dma_start3A_9 = tpu.memref_slice %arg0[%dma_start3A_7, %dma_start3A_8] : memref<4096x100000xf32, #tpu.memory_space<hbm>> -> memref<32x100000xf32, #tpu.memory_space<hbm>>
    tpu.enqueue_dma source(%dma_start3A_9 : memref<32x100000xf32, #tpu.memory_space<hbm>>) target(%dma_start3A_6 : memref<32x100000xf32, #tpu.memory_space<vmem>>) target_semaphore(%dma_start3A_2 : memref<!tpu.dma_semaphore, #tpu.memory_space<semaphore_mem>>)
    %dma_start3A_10 = arith.constant 1 : i32
    %dma_start3A_11 = arith.constant 1 : i32
    %dma_start3A_12 = tpu.memref_slice %arg3[%dma_start3A_11] : memref<4x!tpu.dma_semaphore, #tpu.memory_space<semaphore_mem>> -> memref<1x!tpu.dma_semaphore, #tpu.memory_space<semaphore_mem>>
    %dma_start3A_13 = tpu.memref_squeeze %dma_start3A_12 : memref<1x!tpu.dma_semaphore, #tpu.memory_space<semaphore_mem>> -> memref<!tpu.dma_semaphore, #tpu.memory_space<semaphore_mem>>
    %dma_start3A_14 = arith.constant 0 : i32
    %dma_start3A_15 = arith.constant 0 : i32
    %dma_start3A_16 = tpu.memref_slice %arg2[%dma_start3A_10, %dma_start3A_14, %dma_start3A_15] : memref<4x32x100000xf32, #tpu.memory_space<vmem>> -> memref<1x32x100000xf32, #tpu.memory_space<vmem>>
    %dma_start3A_17 = tpu.memref_squeeze %dma_start3A_16 : memref<1x32x100000xf32, #tpu.memory_space<vmem>> -> memref<32x100000xf32, #tpu.memory_space<vmem>>
    %dma_start3A_18 = arith.constant 32 : i32
    %dma_start3A_19 = arith.constant 0 : i32
    %dma_start3A_20 = tpu.memref_slice %arg0[%dma_start3A_18, %dma_start3A_19] : memref<4096x100000xf32, #tpu.memory_space<hbm>> -> memref<32x100000xf32, #tpu.memory_space<hbm>>
    tpu.enqueue_dma source(%dma_start3A_20 : memref<32x100000xf32, #tpu.memory_space<hbm>>) target(%dma_start3A_17 : memref<32x100000xf32, #tpu.memory_space<vmem>>) target_semaphore(%dma_start3A_13 : memref<!tpu.dma_semaphore, #tpu.memory_space<semaphore_mem>>)
    %dma_start3A_21 = arith.constant 2 : i32
    %dma_start3A_22 = arith.constant 2 : i32
    %dma_start3A_23 = tpu.memref_slice %arg3[%dma_start3A_22] : memref<4x!tpu.dma_semaphore, #tpu.memory_space<semaphore_mem>> -> memref<1x!tpu.dma_semaphore, #tpu.memory_space<semaphore_mem>>
    %dma_start3A_24 = tpu.memref_squeeze %dma_start3A_23 : memref<1x!tpu.dma_semaphore, #tpu.memory_space<semaphore_mem>> -> memref<!tpu.dma_semaphore, #tpu.memory_space<semaphore_mem>>
    %dma_start3A_25 = arith.constant 0 : i32
    %dma_start3A_26 = arith.constant 0 : i32
    %dma_start3A_27 = tpu.memref_slice %arg2[%dma_start3A_21, %dma_start3A_25, %dma_start3A_26] : memref<4x32x100000xf32, #tpu.memory_space<vmem>> -> memref<1x32x100000xf32, #tpu.memory_space<vmem>>
    %dma_start3A_28 = tpu.memref_squeeze %dma_start3A_27 : memref<1x32x100000xf32, #tpu.memory_space<vmem>> -> memref<32x100000xf32, #tpu.memory_space<vmem>>
    %dma_start3A_29 = arith.constant 64 : i32
    %dma_start3A_30 = arith.constant 0 : i32
    %dma_start3A_31 = tpu.memref_slice %arg0[%dma_start3A_29, %dma_start3A_30] : memref<4096x100000xf32, #tpu.memory_space<hbm>> -> memref<32x100000xf32, #tpu.memory_space<hbm>>
    tpu.enqueue_dma source(%dma_start3A_31 : memref<32x100000xf32, #tpu.memory_space<hbm>>) target(%dma_start3A_28 : memref<32x100000xf32, #tpu.memory_space<vmem>>) target_semaphore(%dma_start3A_24 : memref<!tpu.dma_semaphore, #tpu.memory_space<semaphore_mem>>)
    %dma_start3A_32 = arith.constant 3 : i32
    %dma_start3A_33 = arith.constant 3 : i32
    %dma_start3A_34 = tpu.memref_slice %arg3[%dma_start3A_33] : memref<4x!tpu.dma_semaphore, #tpu.memory_space<semaphore_mem>> -> memref<1x!tpu.dma_semaphore, #tpu.memory_space<semaphore_mem>>
    %dma_start3A_35 = tpu.memref_squeeze %dma_start3A_34 : memref<1x!tpu.dma_semaphore, #tpu.memory_space<semaphore_mem>> -> memref<!tpu.dma_semaphore, #tpu.memory_space<semaphore_mem>>
    %dma_start3A_36 = arith.constant 0 : i32
    %dma_start3A_37 = arith.constant 0 : i32
    %dma_start3A_38 = tpu.memref_slice %arg2[%dma_start3A_32, %dma_start3A_36, %dma_start3A_37] : memref<4x32x100000xf32, #tpu.memory_space<vmem>> -> memref<1x32x100000xf32, #tpu.memory_space<vmem>>
    %dma_start3A_39 = tpu.memref_squeeze %dma_start3A_38 : memref<1x32x100000xf32, #tpu.memory_space<vmem>> -> memref<32x100000xf32, #tpu.memory_space<vmem>>
    %dma_start3A_40 = arith.constant 96 : i32
    %dma_start3A_41 = arith.constant 0 : i32
    %dma_start3A_42 = tpu.memref_slice %arg0[%dma_start3A_40, %dma_start3A_41] : memref<4096x100000xf32, #tpu.memory_space<hbm>> -> memref<32x100000xf32, #tpu.memory_space<hbm>>
    tpu.enqueue_dma source(%dma_start3A_42 : memref<32x100000xf32, #tpu.memory_space<hbm>>) target(%dma_start3A_39 : memref<32x100000xf32, #tpu.memory_space<vmem>>) target_semaphore(%dma_start3A_35 : memref<!tpu.dma_semaphore, #tpu.memory_space<semaphore_mem>>)
    %scan3A = arith.constant 0 : i32
    %scan3A_43 = arith.constant 128 : i32
    %scan3A_44 = arith.addi %scan3A, %scan3A_43 : i32
    %scan3A_45 = arith.constant 1 : i32
    scf.for %scan3A_47 = %scan3A to %scan3A_44 step %scan3A_45  : i32 {
      %rem3A = arith.constant 4 : i32
      %rem3A_48 = arith.remsi %scan3A_47, %rem3A : i32
      %mul3A = arith.constant 32 : i32
      %mul3A_49 = arith.muli %scan3A_47, %mul3A : i32
      %dma_wait3A = tpu.memref_slice %arg3[%rem3A_48] : memref<4x!tpu.dma_semaphore, #tpu.memory_space<semaphore_mem>> -> memref<1x!tpu.dma_semaphore, #tpu.memory_space<semaphore_mem>>
      %dma_wait3A_50 = tpu.memref_squeeze %dma_wait3A : memref<1x!tpu.dma_semaphore, #tpu.memory_space<semaphore_mem>> -> memref<!tpu.dma_semaphore, #tpu.memory_space<semaphore_mem>>
      %dma_wait3A_51 = arith.constant 0 : i32
      %dma_wait3A_52 = arith.constant 0 : i32
      %dma_wait3A_53 = tpu.memref_slice %arg2[%rem3A_48, %dma_wait3A_51, %dma_wait3A_52] : memref<4x32x100000xf32, #tpu.memory_space<vmem>> -> memref<1x32x100000xf32, #tpu.memory_space<vmem>>
      %dma_wait3A_54 = tpu.memref_squeeze %dma_wait3A_53 : memref<1x32x100000xf32, #tpu.memory_space<vmem>> -> memref<32x100000xf32, #tpu.memory_space<vmem>>
      %dma_wait3A_55 = arith.constant 0 : i32
      %dma_wait3A_56 = tpu.memref_slice %arg0[%mul3A_49, %dma_wait3A_55] : memref<4096x100000xf32, #tpu.memory_space<hbm>> -> memref<32x100000xf32, #tpu.memory_space<hbm>>
      tpu.wait_dma2 semaphore(%dma_wait3A_50 : memref<!tpu.dma_semaphore, #tpu.memory_space<semaphore_mem>>) src(%dma_wait3A_56 : memref<32x100000xf32, #tpu.memory_space<hbm>>) dst(%dma_wait3A_54 : memref<32x100000xf32, #tpu.memory_space<vmem>>)
      %get3A = arith.index_cast %rem3A_48 : i32 to index
      %get3A_57 = arith.constant 0 : index
      %get3A_58 = arith.constant 0 : index
      %get3A_59 = vector.load %arg2[%get3A, %get3A_57, %get3A_58] : memref<4x32x100000xf32, #tpu.memory_space<vmem>>, vector<1x32x100000xf32>
      %get3A_60 = vector.shape_cast %get3A_59 : vector<1x32x100000xf32> to vector<32x100000xf32>
      %exp3A = math.exp %get3A_60 : vector<32x100000xf32>
      %reduce_sum3A = arith.constant dense<0.000000e+00> : vector<32xf32>
      %reduce_sum3A_61 = vector.multi_reduction <add>, %exp3A, %reduce_sum3A [1] : vector<32x100000xf32> to vector<32xf32>
      %broadcast_in_dim3A = vector.shape_cast %reduce_sum3A_61 : vector<32xf32> to vector<32x1xf32>
      %mul3A_62 = arith.constant 32 : i32
      %mul3A_63 = arith.muli %scan3A_47, %mul3A_62 : i32
      %swap3A = arith.index_cast %mul3A_63 : i32 to index
      %swap3A_64 = arith.constant 0 : index
      %swap3A_65 = vector.load %arg1[%swap3A, %swap3A_64] : memref<4096x1xf32, #tpu.memory_space<vmem>>, vector<32x1xf32>
      tpu.vector_store %arg1[%swap3A, %swap3A_64], %broadcast_in_dim3A {strides = array<i32>} : memref<4096x1xf32, #tpu.memory_space<vmem>>, vector<32x1xf32>,
      %add3A = arith.constant 4 : i32
      %add3A_66 = arith.addi %scan3A_47, %add3A : i32
      %lt3A = arith.constant 128 : i32
      %lt3A_67 = arith.cmpi slt, %add3A_66, %lt3A : i32
      %convert_element_type3A = arith.extui %lt3A_67 : i1 to i32
      %cond3A = arith.constant 0 : i32
      %cond3A_68 = arith.cmpi ne, %convert_element_type3A, %cond3A : i32
      scf.if %cond3A_68 {
        %add3A_69 = arith.constant 4 : i32
        %add3A_70 = arith.addi %scan3A_47, %add3A_69 : i32
        %mul3A_71 = arith.constant 32 : i32
        %mul3A_72 = arith.muli %add3A_70, %mul3A_71 : i32
        %dma_start3A_73 = tpu.memref_slice %arg3[%rem3A_48] : memref<4x!tpu.dma_semaphore, #tpu.memory_space<semaphore_mem>> -> memref<1x!tpu.dma_semaphore, #tpu.memory_space<semaphore_mem>>
        %dma_start3A_74 = tpu.memref_squeeze %dma_start3A_73 : memref<1x!tpu.dma_semaphore, #tpu.memory_space<semaphore_mem>> -> memref<!tpu.dma_semaphore, #tpu.memory_space<semaphore_mem>>
        %dma_start3A_75 = arith.constant 0 : i32
        %dma_start3A_76 = arith.constant 0 : i32
        %dma_start3A_77 = tpu.memref_slice %arg2[%rem3A_48, %dma_start3A_75, %dma_start3A_76] : memref<4x32x100000xf32, #tpu.memory_space<vmem>> -> memref<1x32x100000xf32, #tpu.memory_space<vmem>>
        %dma_start3A_78 = tpu.memref_squeeze %dma_start3A_77 : memref<1x32x100000xf32, #tpu.memory_space<vmem>> -> memref<32x100000xf32, #tpu.memory_space<vmem>>
        %dma_start3A_79 = arith.constant 0 : i32
        %dma_start3A_80 = tpu.memref_slice %arg0[%mul3A_72, %dma_start3A_79] : memref<4096x100000xf32, #tpu.memory_space<hbm>> -> memref<32x100000xf32, #tpu.memory_space<hbm>>
        tpu.enqueue_dma source(%dma_start3A_80 : memref<32x100000xf32, #tpu.memory_space<hbm>>) target(%dma_start3A_78 : memref<32x100000xf32, #tpu.memory_space<vmem>>) target_semaphore(%dma_start3A_74 : memref<!tpu.dma_semaphore, #tpu.memory_space<semaphore_mem>>)
      } else {
      }
    }
    %scan3A_46 = arith.constant 128 : i32
    return
  }
}

module attributes {stable_mosaic.version = 14 : i64} {
  func.func @_topk_mean_kernel(%arg0: memref<32x128xf32, #tpu.memory_space<vmem>>, %arg1: memref<32x128xf32, #tpu.memory_space<vmem>>, %arg2: memref<1x1xf32, #tpu.memory_space<vmem>>) attributes {dimension_semantics = [], scalar_prefetch = 0 : i64, scratch_operands = 0 : i64, tpu.core_type = #tpu.core_type<tc>} {
    %get3A = arith.constant 0 : index
    %get3A_0 = arith.constant 0 : index
    %get3A_1 = vector.load %arg0[%get3A, %get3A_0] : memref<32x128xf32, #tpu.memory_space<vmem>>, vector<32x128xf32>
    %log3A = math.log %get3A_1 : vector<32x128xf32>
    %get3A_2 = arith.constant 0 : index
    %get3A_3 = arith.constant 0 : index
    %get3A_4 = vector.load %arg1[%get3A_2, %get3A_3] : memref<32x128xf32, #tpu.memory_space<vmem>>, vector<32x128xf32>
    %sub3A = arith.subf %log3A, %get3A_4 : vector<32x128xf32>
    %bitcast_convert_type3A = tpu.bitcast %sub3A : vector<32x128xf32> -> vector<32x128xi32>
    %ge3A = arith.constant -2147483648 : i32
    %ge3A_5 = vector.broadcast %ge3A : i32 to vector<32x128xi32>
    %ge3A_6 = arith.cmpi uge, %bitcast_convert_type3A, %ge3A_5 : vector<32x128xi32>
    %not3A = arith.constant dense<-1> : vector<32x128xi32>
    %not3A_7 = arith.xori %bitcast_convert_type3A, %not3A : vector<32x128xi32>
    %or3A = arith.constant -2147483648 : i32
    %or3A_8 = vector.broadcast %or3A : i32 to vector<32x128xi32>
    %or3A_9 = arith.ori %bitcast_convert_type3A, %or3A_8 : vector<32x128xi32>
    %select_n3A = arith.select %ge3A_6, %not3A_7, %or3A_9 : vector<32x128xi1>, vector<32x128xi32>
    %scan3A = arith.constant 0 : i32
    %scan3A_10 = arith.constant 0 : i32
    %scan3A_11 = arith.constant 32 : i32
    %scan3A_12 = arith.addi %scan3A_10, %scan3A_11 : i32
    %scan3A_13 = arith.constant 1 : i32
    %scan3A_14 = scf.for %scan3A_48 = %scan3A_10 to %scan3A_12 step %scan3A_13 iter_args(%scan3A_49 = %scan3A) -> (i32)  : i32 {
      %sub3A_50 = arith.constant 31 : i32
      %sub3A_51 = arith.subi %sub3A_50, %scan3A_48 : i32
      %shift_left3A = arith.constant 1 : i32
      %shift_left3A_52 = arith.shli %shift_left3A, %sub3A_51 : i32
      %or3A_53 = arith.ori %scan3A_49, %shift_left3A_52 : i32
      %ge3A_54 = vector.broadcast %or3A_53 : i32 to vector<32x128xi32>
      %ge3A_55 = arith.cmpi uge, %select_n3A, %ge3A_54 : vector<32x128xi32>
      %jit3A_56 = arith.constant 1 : i32
      %jit3A_57 = arith.constant 0 : i32
      %broadcast_in_dim3A_58 = vector.broadcast %jit3A_56 : i32 to vector<32x128xi32>
      %broadcast_in_dim3A_59 = vector.broadcast %jit3A_57 : i32 to vector<32x128xi32>
      %select_n3A_60 = arith.select %ge3A_55, %broadcast_in_dim3A_58, %broadcast_in_dim3A_59 : vector<32x128xi1>, vector<32x128xi32>
      %reduce_sum3A_61 = vector.shape_cast %select_n3A_60 : vector<32x128xi32> to vector<1x32x128xi32>
      %reduce_sum3A_62 = arith.constant dense<0> : vector<1xi32>
      %reduce_sum3A_63 = vector.multi_reduction <add>, %reduce_sum3A_61, %reduce_sum3A_62 [1, 2] : vector<1x32x128xi32> to vector<1xi32>
      %reduce_sum3A_64 = vector.shape_cast %reduce_sum3A_63 : vector<1xi32> to vector<1x1x1xi32>
      %reduce_sum3A_65 = vector.extract %reduce_sum3A_64[0, 0, 0] : i32 from vector<1x1x1xi32>
      %ge3A_66 = arith.constant 3072 : i32
      %ge3A_67 = arith.cmpi sge, %reduce_sum3A_65, %ge3A_66 : i32
      %select_n3A_68 = arith.select %ge3A_67, %or3A_53, %scan3A_49 : i32
      scf.yield %select_n3A_68 : i32
    }
    %scan3A_15 = arith.constant 32 : i32
    %gt3A = vector.broadcast %scan3A_14 : i32 to vector<32x128xi32>
    %gt3A_16 = arith.cmpi ugt, %select_n3A, %gt3A : vector<32x128xi32>
    %jit3A = arith.constant 1 : i32
    %jit3A_17 = arith.constant 0 : i32
    %broadcast_in_dim3A = vector.broadcast %jit3A : i32 to vector<32x128xi32>
    %broadcast_in_dim3A_18 = vector.broadcast %jit3A_17 : i32 to vector<32x128xi32>
    %select_n3A_19 = arith.select %gt3A_16, %broadcast_in_dim3A, %broadcast_in_dim3A_18 : vector<32x128xi1>, vector<32x128xi32>
    %reduce_sum3A = vector.shape_cast %select_n3A_19 : vector<32x128xi32> to vector<1x32x128xi32>
    %reduce_sum3A_20 = arith.constant dense<0> : vector<1xi32>
    %reduce_sum3A_21 = vector.multi_reduction <add>, %reduce_sum3A, %reduce_sum3A_20 [1, 2] : vector<1x32x128xi32> to vector<1xi32>
    %reduce_sum3A_22 = vector.shape_cast %reduce_sum3A_21 : vector<1xi32> to vector<1x1x1xi32>
    %reduce_sum3A_23 = vector.extract %reduce_sum3A_22[0, 0, 0] : i32 from vector<1x1x1xi32>
    %gt3A_24 = vector.broadcast %scan3A_14 : i32 to vector<32x128xi32>
    %gt3A_25 = arith.cmpi ugt, %select_n3A, %gt3A_24 : vector<32x128xi32>
    %jit3A_26 = arith.constant 0.000000e+00 : f32
    %broadcast_in_dim3A_27 = vector.broadcast %jit3A_26 : f32 to vector<32x128xf32>
    %select_n3A_28 = arith.select %gt3A_25, %sub3A, %broadcast_in_dim3A_27 : vector<32x128xi1>, vector<32x128xf32>
    %reduce_sum3A_29 = vector.shape_cast %select_n3A_28 : vector<32x128xf32> to vector<1x32x128xf32>
    %reduce_sum3A_30 = arith.constant dense<0.000000e+00> : vector<1xf32>
    %reduce_sum3A_31 = vector.multi_reduction <add>, %reduce_sum3A_29, %reduce_sum3A_30 [1, 2] : vector<1x32x128xf32> to vector<1xf32>
    %reduce_sum3A_32 = vector.shape_cast %reduce_sum3A_31 : vector<1xf32> to vector<1x1x1xf32>
    %reduce_sum3A_33 = vector.extract %reduce_sum3A_32[0, 0, 0] : f32 from vector<1x1x1xf32>
    %eq3A = vector.broadcast %scan3A_14 : i32 to vector<32x128xi32>
    %eq3A_34 = arith.cmpi eq, %select_n3A, %eq3A : vector<32x128xi32>
    %jit3A_35 = arith.constant 0xFF800000 : f32
    %broadcast_in_dim3A_36 = vector.broadcast %jit3A_35 : f32 to vector<32x128xf32>
    %select_n3A_37 = arith.select %eq3A_34, %sub3A, %broadcast_in_dim3A_36 : vector<32x128xi1>, vector<32x128xf32>
    %reduce_max3A = vector.shape_cast %select_n3A_37 : vector<32x128xf32> to vector<1x32x128xf32>
    %reduce_max3A_38 = arith.constant dense<0xFF800000> : vector<1xf32>
    %reduce_max3A_39 = vector.multi_reduction <maximumf>, %reduce_max3A, %reduce_max3A_38 [1, 2] : vector<1x32x128xf32> to vector<1xf32>
    %reduce_max3A_40 = vector.shape_cast %reduce_max3A_39 : vector<1xf32> to vector<1x1x1xf32>
    %reduce_max3A_41 = vector.extract %reduce_max3A_40[0, 0, 0] : f32 from vector<1x1x1xf32>
    %sub3A_42 = arith.constant 3072 : i32
    %sub3A_43 = arith.subi %sub3A_42, %reduce_sum3A_23 : i32
    %convert_element_type3A = arith.sitofp %sub3A_43 : i32 to f32
    %mul3A = arith.mulf %convert_element_type3A, %reduce_max3A_41 : f32
    %add3A = arith.addf %reduce_sum3A_33, %mul3A : f32
    %div3A = arith.constant 3.072000e+03 : f32
    %div3A_44 = arith.divf %add3A, %div3A : f32
    %broadcast_in_dim3A_45 = vector.broadcast %div3A_44 : f32 to vector<1x1xf32>
    %swap3A = arith.constant 0 : index
    %swap3A_46 = arith.constant 0 : index
    %swap3A_47 = vector.load %arg2[%swap3A, %swap3A_46] : memref<1x1xf32, #tpu.memory_space<vmem>>, vector<1x1xf32>
    tpu.vector_store %arg2[%swap3A, %swap3A_46], %broadcast_in_dim3A_45 {strides = array<i32>} : memref<1x1xf32, #tpu.memory_space<vmem>>, vector<1x1xf32>,
    return
  }
}

</mosaic_0001>

<sc_bundles>
// kernel: kernel.5.cloned.1.call-start
scs
__scs_entry_jumppad:
0x0: {  	(pc) =	sbr.rel $0x88, $3  }
0x1: {  	(tag) =	ssettag $0x0;
	lr =	simm.s32 $0x1  }
0x2: {  	[smem:$0x3F9F] =	sst lr;
	_ =	strace $0xD0000000  }
0x3: {  	_ = 	snop  }
0x4: {  	_ = 	snop  }
0x5: {  	_ = 	snop  }
0x6: {  	_ = 	snop  }
0x7: {  	_ = 	snop  }
__scs_overlays_trampoline_lowered:
0x8: {  	[smem:$0x3FAE] =	sst s0  }
0x9: {  	[smem:$0x3FAF] =	sst s1  }
0xa: {  	[smem:$0x3FB0] =	sst s2  }
0xb: {  	[smem:$0x3FB1] =	sst s3  }
0xc: {  	[smem:$0x3FB2] =	sst s4  }
0xd: {  	[smem:$0x3FB3] =	sst s5  }
0xe: {  	[smem:$0x3FB4] =	sst s6  }
0xf: {  	[smem:$0x3FB5] =	sst s7  }
0x10: {  	[smem:$0x3FB6] =	sst s8  }
0x11: {  	[smem:$0x3FB7] =	sst s9;
	s0 =	simm.s32 @!p0 $0x0  }
0x12: {  	s1 =	sld [smem:$0x3F9D];
	s0 =	simm.s32 @p0 $0x1  }
0x13: {  	[smem:$0x3FB8] =	sst s0;
	s0 =	simm.s32 @!p1 $0x0  }
0x14: {  	s2 =	sld [smem:$0x3F9C];
	s0 =	simm.s32 @p1 $0x1  }
0x15: {  	[smem:$0x3FB9] =	sst s0;
	s0 =	simm.s32 @!p2 $0x0  }
0x16: {  	s3 =	sld [smem:$0x3FDB];
	s0 =	simm.s32 @p2 $0x1  }
0x17: {  	s4 =	simm.s32 $0x1BF5;
	[smem:$0x3FBB] =	sst s0  }
0x18: {  	s0 =	sld [smem:$0x3F9E];
	_ =	swait.ge [sflag:s4], $0x0  }
0x19: {  	s7 =	sld [smem:$0x3F9F]  }
0x1a: {  	s8 =	sadd.s32 $0xFFFFE003, lr  }
0x1b: {  	s9 =	sadd.s32 $0xFFFFFEF7, lr;
	s5 =	simm.s32 $0xFFFFFFFF;
	p2 =	slt.u32 s8, $0xFFFFF086  }
0x1c: {  	p1 =	slt.u32 s9, $0xF7A;
	s5 =	simm.s32 @!p2 $0x0  }
0x1d: {  	s5 =	simm.s32 @p1 $0x1;
	p0 =	seq.s32 s7, s2  }
0x1e: {  	s7 =	smul.u32 @!p0 $0xF7A, s2;
	p2 =	seq.s32 @!p0 s5, $0x0  }
0x1f: {  	s9 =	smul.u32 $0xF7A, s1;
	s8 =	simm.s32 @!p0 $0x1BF5;
	p2 =	por !p2, p0  }
0x20: {  	[sflag:s8] =	ssyncset.s32 @!p0 $0xFFFFF086;
	s6 =	sadd.s32 @!p0 s3, s7;
	s7 =	simm.s32 @!p0 $0x108  }
0x21: {  	s3 =	sadd.s32 s3, s9;
	s6 =	sadd.s32 @!p0 $0x88, s6;
	s7 =	simm.s32 @p2 $0x1082  }
0x22: {  	[simem:s7], [sflag:s8] =	dma.local @!p0 [hbm:s6], $0xF7A  }
0x23: {  	s9 =	sor.u32 $0xD0000000, s2;
	s6 =	simm.s32 $0x108;
	_ =	swait.ge @!p0 [sflag:s8], $0x0  }
0x24: {  	s3 =	sadd.s32 $0x88, s3;
	s6 =	simm.s32 @!p1 $0x1082;
	[sflag:s4] =	ssyncset.s32 $0xFFFFF086  }
0x25: {  	[simem:s6], [sflag:s4] =	dma.local [hbm:s3], $0xF7A  }
0x26: {  	[smem:$0x3F9F] =	sst s1;
	(tag) =	ssettag s2;
	_ =	strace s9  }
0x27: {  	s1 =	sld [smem:$0x3FAF]  }
0x28: {  	s2 =	sld [smem:$0x3FB0]  }
0x29: {  	s4 =	sld [smem:$0x3FB2]  }
0x2a: {  	p0 =	seq.s32 s5, $0x0;
	s5 =	sld [smem:$0x3FB3]  }
0x2b: {  	s6 =	sld [smem:$0x3FB4]  }
0x2c: {  	s7 =	sld [smem:$0x3FB5]  }
0x2d: {  	s3 =	simm.s32 $0x108;
	s8 =	sld [smem:$0x3FB6]  }
0x2e: {  	s3 =	simm.s32 @!p0 $0x1082;
	s9 =	sld [smem:$0x3FB7]  }
0x2f: {  	lr =	sadd.s32 s0, s3;
	s0 =	sld [smem:$0x3FAE]  }
0x30: {  	s3 =	sld [smem:$0x3FB1]  }
0x31: {  	[smem:$0x3FBA] =	sst s10  }
0x32: {  	s10 =	sld [smem:$0x3FB8];
	_ =	sdelay $0x3  }
0x33: {  	p0 =	seq.s32 s10, $0x1;
	s10 =	sld [smem:$0x3FBA];
	_ =	sdelay $0x3  }
0x34: {  	[smem:$0x3FBA] =	sst s10  }
0x35: {  	s10 =	sld [smem:$0x3FB9];
	_ =	sdelay $0x3  }
0x36: {  	p1 =	seq.s32 s10, $0x1;
	s10 =	sld [smem:$0x3FBA];
	_ =	sdelay $0x3  }
0x37: {  	[smem:$0x3FBA] =	sst s10  }
0x38: {  	s10 =	sld [smem:$0x3FBB]  }
0x39: {  	_ = 	snop;
	(pc) =	sbr.ind lr, $3  }
0x3a: {  	_ = 	snop  }
0x3b: {  	_ = 	snop  }
0x3c: {  	p2 =	seq.s32 s10, $0x1;
	s10 =	sld [smem:$0x3FBA]  }
0x3d: {  	_ =	shalt  }
0x3e: {  	_ =	shalt  }
0x3f: {  	_ =	shalt  }
0x40: {  	_ =	shalt  }
0x41: {  	_ =	shalt  }
0x42: {  	_ =	shalt  }
0x43: {  	_ =	shalt  }
0x44: {  	_ =	shalt  }
0x45: {  	_ =	shalt  }
0x46: {  	_ =	shalt  }
0x47: {  	_ =	shalt  }
0x48: {  	_ =	shalt  }
0x49: {  	_ =	shalt  }
0x4a: {  	_ =	shalt  }
0x4b: {  	_ =	shalt  }
0x4c: {  	_ =	shalt  }
0x4d: {  	_ =	shalt  }
0x4e: {  	_ =	shalt  }
0x4f: {  	_ =	shalt  }
0x50: {  	_ =	shalt  }
0x51: {  	_ =	shalt  }
0x52: {  	_ =	shalt  }
0x53: {  	_ =	shalt  }
0x54: {  	_ =	shalt  }
0x55: {  	_ =	shalt  }
0x56: {  	_ =	shalt  }
0x57: {  	_ =	shalt  }
0x58: {  	_ =	shalt  }
0x59: {  	_ =	shalt  }
0x5a: {  	_ =	shalt  }
0x5b: {  	_ =	shalt  }
0x5c: {  	_ =	shalt  }
0x5d: {  	_ =	shalt  }
0x5e: {  	_ =	shalt  }
0x5f: {  	_ =	shalt  }
0x60: {  	_ =	shalt  }
0x61: {  	_ =	shalt  }
0x62: {  	_ =	shalt  }
0x63: {  	_ =	shalt  }
0x64: {  	_ =	shalt  }
0x65: {  	_ =	shalt  }
0x66: {  	_ =	shalt  }
0x67: {  	_ =	shalt  }
0x68: {  	_ =	shalt  }
0x69: {  	_ =	shalt  }
0x6a: {  	_ =	shalt  }
0x6b: {  	_ =	shalt  }
0x6c: {  	_ =	shalt  }
0x6d: {  	_ =	shalt  }
0x6e: {  	_ =	shalt  }
0x6f: {  	_ =	shalt  }
0x70: {  	_ =	shalt  }
0x71: {  	_ =	shalt  }
0x72: {  	_ =	shalt  }
0x73: {  	_ =	shalt  }
0x74: {  	_ =	shalt  }
0x75: {  	_ =	shalt  }
0x76: {  	_ =	shalt  }
0x77: {  	_ =	shalt  }
0x78: {  	_ =	shalt  }
0x79: {  	_ =	shalt  }
0x7a: {  	_ =	shalt  }
0x7b: {  	_ =	shalt  }
0x7c: {  	_ =	shalt  }
0x7d: {  	_ =	shalt  }
0x7e: {  	_ =	shalt  }
0x7f: {  	_ =	shalt  }
0x80: {  	_ =	shalt  }
0x81: {  	_ =	shalt  }
0x82: {  	_ =	shalt  }
0x83: {  	_ =	shalt  }
0x84: {  	_ =	shalt  }
0x85: {  	_ =	shalt  }
0x86: {  	_ =	shalt  }
0x87: {  	_ =	shalt  }
.Lfunc_end0:
.L_simem_size_0:
called_computation_lowered:
.L_overlay_start_0:
0x88: {  	s2 =	sld [smem:$0x3FD9]  }
0x89: {  	s3 =	sld [smem:$0x3FFE];
	_ =	sdelay $0x1  }
0x8a: {  	s1 =	srdreg.scid  }
0x8b: {  	s0 =	sand.u32 $0x1, s1  }
0x8c: {  	s16 =	sshll.u32 s0, $0xA;
	s2 =	sadd.s32 s3, s2  }
0x8d: {  	s2 =	sadd.s32 s2, s16  }
0x8e: {  	[smem:$0x3FC6] =	sst s2  }
0x8f: {  	_ = 	snop  }
0x90: {  	(tm) =	ssettm $0x1  }
0x91: {  	s17 =	sld [smem:$0x3FFB];
	_ =	sdelay $0x3  }
0x92: {  	_ =	strace s17  }
0x93: {  	s2 =	sld [smem:$0x3FFC];
	_ =	sdelay $0x3  }
0x94: {  	_ =	strace s2  }
0x95: {  	s2 =	sld [smem:$0x3FFD];
	_ =	sdelay $0x3  }
0x96: {  	_ =	strace s2  }
0x97: {  	_ =	strace $0x8FFFFFFF  }
0x98: {  	s18 =	sld [smem:$0x3FDB];
	_ =	sdelay $0x1  }
0x99: {  	s19 =	simm.s32 $_scs_section_size  }
0x9a: {  	s4 =	simm.s32 $_size__tile_overlayer_lowered;
	s5 =	simm.s32 $_tile_overlayer_lowered  }
0x9b: {  	s22 =	simm.s32 $0x1BFF;
	s21 =	sshll.u32 s5, $0x1;
	s2 =	sadd.s32 s19, s18  }
0x9c: {  	s6 =	simm.s32 $0x0;
	s20 =	sshll.u32 s4, $0x1;
	s4 =	sadd.s32 s21, s2  }
0x9d: {  	[timem:s6], [sflag:s22] =	dma.local [hbm:s4], s20  }
0x9e: {  	_ =	swait.ge [sflag:s22], s20  }
0x9f: {  	s3 =	ssub.s32 $0x0, s20;
	[sflag:s22] =	ssyncset.done $0x0  }
0xa0: {  	[sflag:s22] =	ssyncadd.s32 s3;
	_ =	sdelay $0x1  }
0xa1: {  	s23 =	simm.s32 $0x1B8B  }
0xa2: {  	_ =	swait.ge [sflag:s23], $0x1  }
0xa3: {  	[sflag:s23] =	ssyncset.done $0x0  }
0xa4: {  	s25 =	simm.s32 $0x1B8E;
	s24 =	sld [smem:$0x3FFE];
	[sflag:s23] =	ssyncadd.s32 $0xFFFFFFFF  }
0xa5: {  	s26 =	simm.s32 $execute0_lowered;
	[smem:$0x3FD2] =	sst s25  }
0xa6: {  	s4 =	sshll.u32 s26, $0x1;
	_ =	strace $0x80000046;
	[dreg:$0x1] =	wrdreg $0xFFFFFFFF  }
0xa7: {  	s28 =	simm.s32 $_size_execute0_lowered;
	s2 =	sadd.s32 s2, s4;
	[dreg:$0x0] =	wrdreg $0x0  }
0xa8: {  	s4 =	sshll.u32 s28, $0x1;
	[dreg:$0x2] =	wrdreg s2  }
0xa9: {  	[dreg:$0x3] =	wrdreg s4  }
0xaa: {  	[dreg:$0x4] =	wrdreg $0xC0  }
0xab: {  	_ =	task [dreg:s6], $0x5FFFF  }
0xac: {  	[dreg:$0x1] =	wrdreg $0xFFFFFFFF  }
0xad: {  	[dreg:$0x0] =	wrdreg $0x60  }
0xae: {  	[dreg:$0x2] =	wrdreg s24  }
0xaf: {  	[dreg:$0x3] =	wrdreg $0x9  }
0xb0: {  	_ =	task.clear_ibuf [dreg:s6], $0x4FFFF;
	_ =	strace $0x90000046  }
0xb1: {  	s29 =	simm.s32 $0x9;
	_ =	strace $0x80000048  }
0xb2: {  	_ =	swait.ge [sflag:s29], $0x1  }
0xb3: {  	[sflag:s29] =	ssyncadd.s32 $0xFFFFFFFF  }
0xb4: {  	_ =	strace $0x90000048  }
0xb5: {  	_ =	sfence  }
0xb6: {  	s30 =	sld [smem:$0x0];
	_ =	sdelay $0x2  }
0xb7: {  	s31 =	sshll.u32 s1, $0xD;
	s1 =	sshrl.u32 s1, $0x2  }
0xb8: {  	s3 =	sand.u32 $0x4000, s31;
	s1 =	sadd.s32 s1, s30  }
0xb9: {  	s0 =	sor.u32 s3, s0;
	s1 =	sshll.u32 s1, $0x11  }
0xba: {  	s0 =	sor.u32 s1, s0  }
0xbb: {  	s0 =	sadd.s32 $0x8F2B, s0  }
0xbc: {  	[sflag:s0] =	ssyncadd.remote.s32 $0x1  }
0xbd: {  	_ =	sfence.sel $0xFFFF  }
0xbe: {  	[dreg:$0x0] =	wrdreg $0xFFFFFFFF;
	(pc) =	sbr.abs _section_cstart, $3  }
0xbf: {  	[dreg:$0x1] =	wrdreg $0xFFFFFFFF  }
0xc0: {  	_ =	task.clear_ibuf [dreg:s6], $0x2FFFF;
	_ =	strace $0x9FFFFFFF  }
0xc1: {  	(tm) =	ssettm $0x7FFFFFFF  }
tec
execute0_lowered:
.L_overlay_start_1:
0x0: {  	(tag) =	ssettag $0x1  }
0x1: {  	s1 =	srdreg.scid  }
0x2: {  	s0 =	stileid.u32;
	s10 =	sand.u32 $0x1, s1  }
0x3: {  	s7 =	rddreg [dreg:$0x0];
	s3 =	sshll.u32 s0, $0x5;
	s4 =	sshll.u32 s10, $0x4  }
0x4: {  	s2 =	simm.s32 $0x0;
	s1 =	rddreg [dreg:$0x1];
	s3 =	sor.u32 s4, s3  }
0x5: {  	[smem:$0x7FF] =	sst s2;
	s11 =	sadd.s32 s3, s7  }
0x6: {  	_ =	strace $0x80000047;
	s3 =	simm.s32 $0x2;
	s4 =	sadd.s32 $0x61B4800, s11  }
0x7: {  	[tilespmem:s2], [sflag:$0x2] =	stream.linear.gather [hbm4b:s4+s2], $0x80, $0x38;
	[tilespmem:$0x4180] =	vst v63  }
0x8: {  	_ =	swait.ge [sflag:s3], $0x80  }
0x9: {  	[sflag:s3] =	ssyncset.done $0x0  }
0xa: {  	s6 =	simm.s32 $0x80;
	s5 =	sadd.s32 $0x61B4600, s11;
	[sflag:s3] =	ssyncadd.s32 $0xFFFFFF80  }
0xb: {  	[tilespmem:s6], [sflag:$0x2] =	stream.linear.gather [hbm4b:s5+s2], $0x80, $0x38;
	[tilespmem:$0x4180] =	vst v63  }
0xc: {  	_ =	swait.ge [sflag:s3], $0x80  }
0xd: {  	s8 =	simm.s32 $0x100;
	[sflag:s3] =	ssyncset.done $0x0  }
0xe: {  	s9 =	simm.s32 $0x1;
	s7 =	sadd.s32 $0x30E0600, s7;
	[sflag:s3] =	ssyncadd.s32 $0xFFFFFF80  }
0xf: {  	[tilespmem:s8], [sflag:$0x1] =	stream.indirect.gather [hbm4b:s7+s6], $0x80, s2, s6, $0xb8;
	[tilespmem:$0x4180] =	vst v63  }
0x10: {  	_ =	swait.ge [sflag:s9], $0x4000  }
0x11: {  	[sflag:s9] =	ssyncset.done $0x0  }
0x12: {  	[sflag:s9] =	ssyncadd.s32 $0xFFFFC000  }
0x13: {  	v1 =	vld [tilespmem:$0x80];
	_ =	sdelay $0x1  }
0x14: {  	v0 =	vlaneseq.u32  }
0x15: {  	v0 =	vmul.u32 $0x80, v0;
	_ =	sdelay $0x1  }
0x16: {  	v2 =	vadd.s32 v0, v1  }
0x17: {  	v3 =	vld [tilespmem:$0x90];
	_ =	sdelay $0x3  }
0x18: {  	v1 =	vor.u32 $0x800, v0;
	v2 =	vld.idx.msk [tilespmem:v2+s8+$0x0], $0xffff  }
0x19: {  	v3 =	vadd.s32 v1, v3  }
0x1a: {  	v4 =	vld [tilespmem:$0xA0];
	_ =	sdelay $0x2  }
0x1b: {  	[tilespmem:$0x4100] =	vst v2  }
0x1c: {  	v2 =	vor.u32 $0x1000, v0;
	v3 =	vld.idx.msk [tilespmem:v3+s8+$0x0], $0xffff  }
0x1d: {  	v4 =	vadd.s32 v2, v4  }
0x1e: {  	v5 =	vld [tilespmem:$0xB0];
	_ =	sdelay $0x2  }
0x1f: {  	[tilespmem:$0x4110] =	vst v3  }
0x20: {  	v3 =	vor.u32 $0x1800, v0;
	v4 =	vld.idx.msk [tilespmem:v4+s8+$0x0], $0xffff  }
0x21: {  	v5 =	vadd.s32 v3, v5  }
0x22: {  	v6 =	vld [tilespmem:$0xC0];
	_ =	sdelay $0x2  }
0x23: {  	[tilespmem:$0x4120] =	vst v4  }
0x24: {  	v4 =	vor.u32 $0x2000, v0;
	v5 =	vld.idx.msk [tilespmem:v5+s8+$0x0], $0xffff  }
0x25: {  	v6 =	vadd.s32 v4, v6  }
0x26: {  	v7 =	vld [tilespmem:$0xD0];
	_ =	sdelay $0x2  }
0x27: {  	[tilespmem:$0x4130] =	vst v5  }
0x28: {  	v5 =	vor.u32 $0x2800, v0;
	v6 =	vld.idx.msk [tilespmem:v6+s8+$0x0], $0xffff  }
0x29: {  	v7 =	vadd.s32 v5, v7  }
0x2a: {  	v8 =	vld [tilespmem:$0xE0];
	_ =	sdelay $0x2  }
0x2b: {  	[tilespmem:$0x4140] =	vst v6  }
0x2c: {  	v6 =	vor.u32 $0x3000, v0;
	v7 =	vld.idx.msk [tilespmem:v7+s8+$0x0], $0xffff  }
0x2d: {  	v8 =	vadd.s32 v6, v8  }
0x2e: {  	v9 =	vld [tilespmem:$0xF0];
	_ =	sdelay $0x2  }
0x2f: {  	[tilespmem:$0x4150] =	vst v7  }
0x30: {  	v7 =	vor.u32 $0x3800, v0;
	v8 =	vld.idx.msk [tilespmem:v8+s8+$0x0], $0xffff  }
0x31: {  	v9 =	vadd.s32 v7, v9;
	_ =	sdelay $0x3  }
0x32: {  	s10 =	ssub.s32 $0x2, s10;
	[tilespmem:$0x4160] =	vst v8  }
0x33: {  	s12 =	sshrl.u32 s10, $0x1;
	v8 =	vld.idx.msk [tilespmem:v9+s8+$0x0], $0xffff  }
0x34: {  	s12 =	ssub.s32 s10, s12  }
0x35: {  	s12 =	smax.u32 s12, $0x1  }
0x36: {  	p0 =	sne.s32 s12, $0x1  }
.Ltmp0:
0x37: {  	_ = 	snop;
	(pc) =	sbr.rel @!p0 .LBB2_2-.Ltmp0, $4  }
0x38: {  	s10 =	sadd.s32 $0x61B4A00, s11;
	s11 =	simm.s32 $0x4100;
	[tilespmem:$0x4170] =	vst v8  }
0x39: {  	[hbm4b:s10+s2] =	stream.linear.scatter [tilespmem:s11], [sflag:$0x2], $0x80, $0x38;
	[tilespmem:$0x4180] =	vst v63  }
0x3a: {  	_ =	swait.ge [sflag:s3], $0x80  }
0x3b: {  	s12 =	sadd.s32 $0xFFFFFFFF, s12;
	[sflag:s3] =	ssyncset.done $0x0  }
.LBB2_1:
0x3c: {  	p0 =	sne.s32 s12, $0x1;
	s12 =	sadd.s32 $0xFFFFFFFF, s12;
	[sflag:s3] =	ssyncadd.s32 $0xFFFFFF80  }
0x3d: {  	[tilespmem:s2], [sflag:$0x2] =	stream.linear.gather [hbm4b:s4+s2], $0x80, $0x38;
	[tilespmem:$0x4180] =	vst v63  }
0x3e: {  	_ =	swait.ge [sflag:s3], $0x80  }
0x3f: {  	[sflag:s3] =	ssyncset.done $0x0  }
0x40: {  	[sflag:s3] =	ssyncadd.s32 $0xFFFFFF80  }
0x41: {  	[tilespmem:s6], [sflag:$0x2] =	stream.linear.gather [hbm4b:s5+s2], $0x80, $0x38;
	[tilespmem:$0x4180] =	vst v63  }
0x42: {  	_ =	swait.ge [sflag:s3], $0x80  }
0x43: {  	[sflag:s3] =	ssyncset.done $0x0  }
0x44: {  	[sflag:s3] =	ssyncadd.s32 $0xFFFFFF80  }
0x45: {  	[tilespmem:s8], [sflag:$0x1] =	stream.indirect.gather [hbm4b:s7+s6], $0x80, s2, s6, $0xb8;
	[tilespmem:$0x4180] =	vst v63  }
0x46: {  	_ =	swait.ge [sflag:s9], $0x4000  }
0x47: {  	[sflag:s9] =	ssyncset.done $0x0  }
0x48: {  	[sflag:s9] =	ssyncadd.s32 $0xFFFFC000  }
0x49: {  	v8 =	vld [tilespmem:$0x80]  }
0x4a: {  	v9 =	vld [tilespmem:$0x90]  }
0x4b: {  	v10 =	vld [tilespmem:$0xA0]  }
0x4c: {  	v11 =	vld [tilespmem:$0xB0]  }
0x4d: {  	v12 =	vld [tilespmem:$0xC0]  }
0x4e: {  	v8 =	vadd.s32 v0, v8;
	v13 =	vld [tilespmem:$0xD0]  }
0x4f: {  	v14 =	vld [tilespmem:$0xE0]  }
0x50: {  	v15 =	vld [tilespmem:$0xF0];
	_ =	sdelay $0x2  }
0x51: {  	v8 =	vld.idx.msk [tilespmem:v8+s8+$0x0], $0xffff;
	_ =	sdelay $0x1  }
0x52: {  	v9 =	vadd.s32 v1, v9;
	_ =	sdelay $0x3  }
0x53: {  	[tilespmem:$0x4100] =	vst v8  }
0x54: {  	v8 =	vld.idx.msk [tilespmem:v9+s8+$0x0], $0xffff;
	_ =	sdelay $0x1  }
0x55: {  	v9 =	vadd.s32 v2, v10;
	_ =	sdelay $0x3  }
0x56: {  	[tilespmem:$0x4110] =	vst v8  }
0x57: {  	v8 =	vld.idx.msk [tilespmem:v9+s8+$0x0], $0xffff;
	_ =	sdelay $0x1  }
0x58: {  	v9 =	vadd.s32 v3, v11;
	_ =	sdelay $0x3  }
0x59: {  	[tilespmem:$0x4120] =	vst v8  }
0x5a: {  	v8 =	vld.idx.msk [tilespmem:v9+s8+$0x0], $0xffff;
	_ =	sdelay $0x1  }
0x5b: {  	v9 =	vadd.s32 v4, v12;
	_ =	sdelay $0x3  }
0x5c: {  	[tilespmem:$0x4130] =	vst v8  }
0x5d: {  	v8 =	vld.idx.msk [tilespmem:v9+s8+$0x0], $0xffff;
	_ =	sdelay $0x1  }
0x5e: {  	v9 =	vadd.s32 v5, v13;
	_ =	sdelay $0x3  }
0x5f: {  	[tilespmem:$0x4140] =	vst v8  }
0x60: {  	v8 =	vld.idx.msk [tilespmem:v9+s8+$0x0], $0xffff;
	_ =	sdelay $0x1  }
0x61: {  	v9 =	vadd.s32 v6, v14;
	_ =	sdelay $0x3  }
0x62: {  	[tilespmem:$0x4150] =	vst v8  }
0x63: {  	v8 =	vld.idx.msk [tilespmem:v9+s8+$0x0], $0xffff;
	_ =	sdelay $0x1  }
0x64: {  	v9 =	vadd.s32 v7, v15;
	_ =	sdelay $0x3  }
0x65: {  	[tilespmem:$0x4160] =	vst v8  }
0x66: {  	v8 =	vld.idx.msk [tilespmem:v9+s8+$0x0], $0xffff;
	_ =	sdelay $0x4  }
.Ltmp1:
0x67: {  	(pc) =	sbr.rel @p0 .LBB2_1-.Ltmp1, $4  }
0x68: {  	[tilespmem:$0x4170] =	vst v8  }
0x69: {  	[hbm4b:s10+s2] =	stream.linear.scatter [tilespmem:s11], [sflag:$0x2], $0x80, $0x38;
	[tilespmem:$0x4180] =	vst v63  }
0x6a: {  	_ =	swait.ge [sflag:s3], $0x80  }
0x6b: {  	[sflag:s3] =	ssyncset.done $0x0  }
.LBB2_2:
0x6c: {  	[sflag:s3] =	ssyncadd.s32 $0xFFFFFF80  }
0x6d: {  	_ =	sfence.sel $0x180000  }
0x6e: {  	[bflag:$0x0] =	sbarrier.arrive $0xFFFF  }
0x6f: {  	p0 =	sne.s32 s0, $0x0;
	_ =	strace $0x90000047  }
0x70: {  	s0 =	sadd.s32 @!p0 $0x100000, s1;
	[bflag:$0x2] =	sbarrier.arrive $0xFFFF  }
0x71: {  	[sflag:s0] =	ssyncadd.tile.s32 @!p0 $0x1;
	_ =	shalt  }
.Lfunc_end2:
_tile_overlayer_lowered:
.L_overlay_start_2:
0x72: {  	(tag) =	ssettag $0x2  }
0x73: {  	s0 =	rddreg [dreg:$0x0];
	s2 =	stileid.u32  }
0x74: {  	s1 =	rddreg [dreg:$0x1];
	p0 =	sne.s32 s2, $0x0  }
0x75: {  	s3 =	rddreg [dreg:$0x2];
	[bflag:$0x3] =	sbarrier.arrive $0xFFFF;
	s2 =	simm.s32 @!p0 $0x1C02  }
0x76: {  	[timem:s3], [sflag:s2] =	dma.local @!p0 [hbm:s0], s1  }
0x77: {  	s0 =	simm.s32 @!p0 $0x2  }
0x78: {  	_ =	swait.ge @!p0 [sflag:s0], s1  }
0x79: {  	s1 =	ssub.s32 @!p0 $0x0, s1;
	[sflag:s0] =	ssyncset.done @!p0 $0x0  }
0x7a: {  	[sflag:s0] =	ssyncadd.s32 @!p0 s1  }
0x7b: {  	[bflag:$0x3] =	sbarrier.arrive $0xFFFF  }
0x7c: {  	_ =	shalt  }

</sc_bundles>
